<compile_context>
chip_gen: v7x
topology: tpu7x:2x2x1
jax: 0.10.2.dev20260603
libtpu: 0.0.44.dev20260713+nightly
codegen_flags: <defaults>
</compile_context>

<pallas_src>
import functools

import jax
import jax.numpy as jnp
from jax import lax
from jax.experimental import pallas as pl
from jax.experimental.pallas import tpu as pltpu
from jax.experimental.pallas import tpu_sc as plsc

NUM_EMBEDDINGS = 1024
EMBEDDING_DIM = 64
COMMITMENT_COST = 0.25
EPSILON = 0.05
DUAL_STEPS = 10
DUAL_LR = 0.5

ROW_BLOCK = 2048


def _vq_block_kernel(x_ref, cb_ref, xn_ref, cn_ref,
                     enc_ref, idx_ref, hist_ref, err_ref):
    i = pl.program_id(0)
    x = x_ref[...]
    c = cb_ref[...]
    s = jax.lax.dot_general(x, c, (((1,), (1,)), ((), ())),
                            preferred_element_type=jnp.float32)
    dist = xn_ref[...] + cn_ref[...] - 2.0 * s
    cols = jax.lax.broadcasted_iota(jnp.int32, dist.shape, 1)
    dmin = jnp.min(dist, axis=1, keepdims=True)
    idx = jnp.min(jnp.where(dist == dmin, cols, NUM_EMBEDDINGS), axis=1)
    oh = (cols == idx[:, None]).astype(jnp.float32)
    enc_ref[...] = oh
    idx_ref[...] = idx[:, None]
    blk_hist = jax.lax.dot_general(
        jnp.ones((1, x.shape[0]), jnp.float32), oh,
        (((1,), (0,)), ((), ())), preferred_element_type=jnp.float32)
    blk_err = jnp.sum(dmin)

    @pl.when(i == 0)
    def _init():
        hist_ref[...] = jnp.zeros_like(hist_ref)
        err_ref[...] = jnp.zeros_like(err_ref)

    hist_ref[...] += blk_hist
    err_ref[...] += blk_err


def _normalize_prob(p):
    p = jnp.clip(p, 1e-12, None)
    return p / jnp.sum(p)


def _tail_kernel(hist_r_ref, hist_c_ref, err_ref,
                 loss_ref, perp_ref, probs_ref, tgt_ref):
    hist_r = hist_r_ref[...]
    hist_c = hist_c_ref[...]
    n_rows = float(16 * 32 * 32)
    p_r = hist_r * (1.0 / n_rows)
    probs_ref[...] = p_r
    perp = jnp.exp(-jnp.sum(p_r * jnp.log(p_r + 1e-10)))
    perp_ref[...] = jnp.full((1, 1), 0.0) + perp

    col = jax.lax.broadcasted_iota(jnp.int32, (1, NUM_EMBEDDINGS), 1
                                   ).astype(jnp.float32)
    mean_c = (NUM_EMBEDDINGS - 1) / 2.0
    std = NUM_EMBEDDINGS / 6.0
    t = jnp.exp(-0.5 * ((col - mean_c) / std) ** 2)
    t = t / jnp.clip(jnp.sum(t), 1e-12, None)
    tgt_ref[...] = t

    tgt_w = _normalize_prob(t)
    log_tgt = jnp.log(jnp.clip(tgt_w, 1e-12, None))
    src_c = _normalize_prob(_normalize_prob(hist_c * (1.0 / n_rows)))

    inv_eps = 1.0 / EPSILON
    n_t, tile_r, win = 8, 128, 256
    w_list = [min(max(tile_r * t - 64, 0), NUM_EMBEDDINGS - win)
              for t in range(n_t)]
    tt = jax.lax.broadcasted_iota(jnp.int32, (n_t, tile_r, win), 0)
    rr = jax.lax.broadcasted_iota(jnp.int32, (n_t, tile_r, win), 1)
    cc = jax.lax.broadcasted_iota(jnp.int32, (n_t, tile_r, win), 2)
    i_glob = tt * tile_r + rr
    w_row = jnp.clip(tt * tile_r - 64, 0, NUM_EMBEDDINGS - win)
    ce3 = jnp.abs(i_glob - (w_row + cc)).astype(jnp.float32) * inv_eps
    src3 = src_c.reshape(n_t, tile_r, 1)

    def band_stats(phi):
        u = log_tgt + phi * inv_eps
        ub = jnp.concatenate([u[:, w:w + win] for w in w_list], axis=0)
        m3 = ub[:, None, :] - ce3
        m = jnp.max(m3, axis=2, keepdims=True)
        e = jnp.exp(m3 - m)
        ssum = jnp.sum(e, axis=2, keepdims=True)
        return m, e, ssum

    def body(_, phi):
        m, e, ssum = band_stats(phi)
        w3 = src3 / ssum
        part = jnp.sum(w3 * e, axis=1)
        marg = jnp.zeros((1, NUM_EMBEDDINGS), jnp.float32)
        for t in range(n_t):
            w0 = w_list[t]
            pieces = []
            if w0 > 0:
                pieces.append(jnp.zeros((1, w0), jnp.float32))
            pieces.append(part[t:t + 1, :])
            if w0 + win < NUM_EMBEDDINGS:
                pieces.append(jnp.zeros((1, NUM_EMBEDDINGS - win - w0),
                                        jnp.float32))
            marg = marg + jnp.concatenate(pieces, axis=1)
        return phi + DUAL_LR * (tgt_w - marg)

    phi = jax.lax.fori_loop(0, DUAL_STEPS, body,
                            jnp.zeros((1, NUM_EMBEDDINGS), jnp.float32))
    m, e, ssum = band_stats(phi)
    lse3 = m + jnp.log(ssum)
    obj = jnp.sum(src3 * (-EPSILON * lse3)) + jnp.sum(tgt_w * phi)

    mse = err_ref[0, 0] / (n_rows * EMBEDDING_DIM)
    loss_ref[...] = jnp.full((1, 1), 0.0) + ((mse + COMMITMENT_COST * mse) + obj)


def _make_sc_gather():
    n = 16 * 32 * 32
    info = plsc.get_sparse_core_info()
    nw = info.num_cores * info.num_subcores
    rows_per_w = n // nw
    mesh = plsc.VectorSubcoreMesh(core_axis_name="c", subcore_axis_name="s")

    gw = 128

    @functools.partial(
        pl.kernel, mesh=mesh,
        out_type=jax.ShapeDtypeStruct((n, gw), jnp.float32),
        scratch_types=[
            pltpu.VMEM((rows_per_w,), jnp.int32),
            pltpu.VMEM((rows_per_w, gw), jnp.float32),
            pltpu.SemaphoreType.DMA,
        ],
    )
    def sc_gather(table_hbm, idx_hbm, out_hbm, idx_v, rows_v, sem):
        wid = lax.axis_index("s") * info.num_cores + lax.axis_index("c")
        base = wid * rows_per_w
        pltpu.sync_copy(idx_hbm.at[pl.ds(base, rows_per_w)], idx_v)
        pltpu.async_copy(table_hbm.at[idx_v], rows_v, sem).wait()
        pltpu.sync_copy(rows_v, out_hbm.at[pl.ds(base, rows_per_w)])

    return sc_gather


_sc_gather = _make_sc_gather()


def kernel(inputs, codebook):
    b, ch, h, w = inputs.shape
    x4 = jnp.transpose(inputs, (0, 2, 3, 1))
    flat = x4.reshape(-1, EMBEDDING_DIM)
    n = flat.shape[0]
    grid = n // ROW_BLOCK

    enc, idx2d, hist, err = pl.pallas_call(
        _vq_block_kernel,
        grid=(grid,),
        in_specs=[
            pl.BlockSpec((ROW_BLOCK, EMBEDDING_DIM), lambda i: (i, 0)),
            pl.BlockSpec((NUM_EMBEDDINGS, EMBEDDING_DIM), lambda i: (0, 0)),
            pl.BlockSpec((ROW_BLOCK, 1), lambda i: (i, 0)),
            pl.BlockSpec((1, NUM_EMBEDDINGS), lambda i: (0, 0)),
        ],
        out_specs=[
            pl.BlockSpec((ROW_BLOCK, NUM_EMBEDDINGS), lambda i: (i, 0)),
            pl.BlockSpec((ROW_BLOCK, 1), lambda i: (i, 0)),
            pl.BlockSpec((1, NUM_EMBEDDINGS), lambda i: (0, 0)),
            pl.BlockSpec((1, 1), lambda i: (0, 0)),
        ],
        out_shape=[
            jax.ShapeDtypeStruct((n, NUM_EMBEDDINGS), jnp.float32),
            jax.ShapeDtypeStruct((n, 1), jnp.int32),
            jax.ShapeDtypeStruct((1, NUM_EMBEDDINGS), jnp.float32),
            jax.ShapeDtypeStruct((1, 1), jnp.float32),
        ],
    )(flat, codebook,
      jnp.sum(flat ** 2, axis=1, keepdims=True),
      jnp.sum(codebook ** 2, axis=1)[None, :])

    cb_pad = jnp.pad(codebook, ((0, 0), (0, 128 - EMBEDDING_DIM)))
    qflat = _sc_gather(cb_pad, idx2d.reshape(n))[:, :EMBEDDING_DIM]

    loss, perp, probs, tgt = pl.pallas_call(
        _tail_kernel,
        out_shape=[
            jax.ShapeDtypeStruct((1, 1), jnp.float32),
            jax.ShapeDtypeStruct((1, 1), jnp.float32),
            jax.ShapeDtypeStruct((1, NUM_EMBEDDINGS), jnp.float32),
            jax.ShapeDtypeStruct((1, NUM_EMBEDDINGS), jnp.float32),
        ],
    )(hist, jnp.transpose(hist), err)

    q4 = qflat.reshape(b, h, w, ch)
    quantized = jnp.transpose(x4 + (q4 - x4), (0, 3, 1, 2))
    return (quantized, loss.reshape(()), perp.reshape(()), enc, enc,
            probs.reshape(NUM_EMBEDDINGS), tgt.reshape(NUM_EMBEDDINGS))

# --- scband reference (transcript-rebuilt; emitter-appended) ---
"""Pipeline reference for scband-gaussian-shaped-vector-quantizer-68771016343611 (READ-ONLY COPY).

The authoritative reference and input builder live on the scoring server;
editing this copy changes nothing except your own understanding.
"""

import jax, jax.numpy as jnp
import numpy as np
from jax.scipy.special import logsumexp

NUM_EMBEDDINGS = 1024
EMBEDDING_DIM = 64
COMMITMENT_COST = 0.25
EPSILON = 0.05
DUAL_STEPS = 10
DUAL_LR = 0.5
HIST_TEMPERATURE = 0.5
OT_WEIGHT = 1.0


def _normalize_prob(p):
    p = jnp.clip(p, 1e-12, None)
    return p / jnp.sum(p)


def _dual_obj(phi, src_w, tgt_w, cost):
    src_w = _normalize_prob(src_w)
    tgt_w = _normalize_prob(tgt_w)
    log_tgt = jnp.log(jnp.clip(tgt_w, 1e-12, None))[None, :]
    exp_term = (-cost + phi[None, :]) / EPSILON
    lse = logsumexp(log_tgt + exp_term, axis=1)
    return jnp.sum(src_w * (-EPSILON * lse)) + jnp.sum(tgt_w * phi)


def _dual_ot_loss(src_w, tgt_w, cost):
    src_det = jax.lax.stop_gradient(src_w)
    tgt_det = jax.lax.stop_gradient(tgt_w)
    cost_det = jax.lax.stop_gradient(cost)
    phi = jnp.zeros_like(tgt_det)
    gfn = jax.grad(_dual_obj, argnums=0)
    for _ in range(DUAL_STEPS):
        phi = phi + DUAL_LR * gfn(phi, src_det, tgt_det, cost_det)
    return _dual_obj(jax.lax.stop_gradient(phi), src_w, tgt_w, cost)


def _gaussian_target(dtype):
    idx = jnp.arange(NUM_EMBEDDINGS, dtype=dtype)
    mean = (NUM_EMBEDDINGS - 1) / 2.0
    std = NUM_EMBEDDINGS / 6.0
    t = jnp.exp(-0.5 * ((idx - mean) / std) ** 2)
    return t / jnp.clip(jnp.sum(t), 1e-12, None)


def _power_normalize(z):
    power = jnp.sqrt(jnp.mean(z * z))
    return jnp.where(power > 1.0, z / power, z)


def _forward(inputs, codebook):
    inputs_bhwc = jnp.transpose(inputs, (0, 2, 3, 1))
    input_shape = inputs_bhwc.shape
    flat_input = inputs_bhwc.reshape(-1, EMBEDDING_DIM)
    distances = (jnp.sum(flat_input ** 2, axis=1, keepdims=True)
                 + jnp.sum(codebook ** 2, axis=1)
                 - 2.0 * (flat_input @ codebook.T))
    encoding_indices = jnp.argmin(distances, axis=1)
    encodings = jax.nn.one_hot(encoding_indices, NUM_EMBEDDINGS, dtype=jnp.float32)
    encodings = _power_normalize(encodings)
    clean_quantized = encodings @ codebook
    noisy_encodings = encodings + jnp.zeros_like(encodings)  # channel is None
    noisy_quantized = noisy_encodings @ codebook
    # training branch (module defaults to training=True)
    hard_hist = jnp.mean(encodings, axis=0)
    soft_assign = jax.nn.softmax(-distances / HIST_TEMPERATURE, axis=1)
    soft_hist = jnp.mean(soft_assign, axis=0)
    codeword_weight = hard_hist + (soft_hist - jax.lax.stop_gradient(soft_hist))
    codeword_weight = _normalize_prob(codeword_weight)
    target = _gaussian_target(inputs.dtype)
    support = jnp.arange(NUM_EMBEDDINGS, dtype=inputs.dtype)
    cost = jnp.abs(support[:, None] - support[None, :])  # cdist p=2 on 1-D support
    ot_loss = OT_WEIGHT * _dual_ot_loss(codeword_weight, target, cost)
    codebook_loss = jnp.mean((clean_quantized - jax.lax.stop_gradient(flat_input)) ** 2)
    commitment_loss = jnp.mean((jax.lax.stop_gradient(clean_quantized) - flat_input) ** 2)
    loss = codebook_loss + COMMITMENT_COST * commitment_loss + ot_loss
    noisy_quantized = noisy_quantized.reshape(input_shape)
    quantized = inputs_bhwc + jax.lax.stop_gradient(noisy_quantized - inputs_bhwc)
    avg_probs = jnp.mean(encodings, axis=0)
    perplexity = jnp.exp(-jnp.sum(avg_probs * jnp.log(avg_probs + 1e-10)))
    quantized = jnp.transpose(quantized, (0, 3, 1, 2))
    return quantized, loss, perplexity, encodings, noisy_encodings, avg_probs, target


def setup_inputs(seed: int = 0):
    key = jax.random.key(seed)
    k1, k2 = jax.random.split(key)
    inputs = jax.random.normal(k1, (16, 64, 32, 32), dtype=jnp.float32)
    codebook = jax.random.uniform(k2, (NUM_EMBEDDINGS, EMBEDDING_DIM), dtype=jnp.float32,
                                  minval=-1.0 / NUM_EMBEDDINGS, maxval=1.0 / NUM_EMBEDDINGS)
    return {"inputs": inputs, "codebook": codebook}


def reference(inputs, codebook):
    return _forward(inputs, codebook)

if __name__ == "__main__":
    import jax
    _d = setup_inputs()
    print(jax.jit(kernel)(*tuple(_d.values())))

</pallas_src>

<mosaic_0001>
#map = affine_map<(d0, d1) -> (0, 0)>
#map1 = affine_map<(d0, d1) -> (0)>
module attributes {stable_mosaic.version = 14 : i64} {
  func.func @sc_gather(%arg0: i32, %arg1: i32, %arg2: memref<1024x128xf32, #tpu.memory_space<hbm>>, %arg3: memref<16384xi32, #tpu.memory_space<hbm>>, %arg4: memref<16384x128xf32, #tpu.memory_space<hbm>>, %arg5: memref<512xi32, #tpu.memory_space<vmem>>, %arg6: memref<512x128xf32, #tpu.memory_space<vmem>>, %arg7: memref<!tpu.dma_semaphore, #tpu.memory_space<semaphore_mem>>) attributes {dimension_semantics = [#tpu.dimension_semantics<core_parallel>, #tpu.dimension_semantics<subcore_parallel>], iteration_bounds = array<i64: 2, 16>, scalar_prefetch = 0 : i64, scratch_operands = 3 : i64, tpu.core_type = #tpu.core_type<sc_vector_subcore>, window_params = [{transform_indices = #map}, {transform_indices = #map1}, {transform_indices = #map}]} {
    %mul3A = arith.constant 2 : i32
    %mul3A_0 = arith.muli %arg1, %mul3A : i32
    %add3A = arith.addi %mul3A_0, %arg0 : i32
    %mul3A_1 = arith.constant 512 : i32
    %mul3A_2 = arith.muli %add3A, %mul3A_1 : i32
    "tpu.region"() ({
      %run_scoped3A = tpu.sem_alloc : memref<!tpu.dma_semaphore, #tpu.memory_space<semaphore_mem>>
      %dma_start3A_7 = tpu.memref_slice %arg3[%mul3A_2] : memref<16384xi32, #tpu.memory_space<hbm>> -> memref<512xi32, #tpu.memory_space<hbm>>
      %dma_start3A_8 = tpu.memref_slice %arg3[%mul3A_2] : memref<16384xi32, #tpu.memory_space<hbm>> -> memref<512xi32, #tpu.memory_space<hbm>>
      tpu.enqueue_dma source(%dma_start3A_8 : memref<512xi32, #tpu.memory_space<hbm>>) target(%arg5 : memref<512xi32, #tpu.memory_space<vmem>>) target_semaphore(%run_scoped3A : memref<!tpu.dma_semaphore, #tpu.memory_space<semaphore_mem>>)
      %dma_wait3A_9 = tpu.memref_slice %arg3[%mul3A_2] : memref<16384xi32, #tpu.memory_space<hbm>> -> memref<512xi32, #tpu.memory_space<hbm>>
      %dma_wait3A_10 = tpu.memref_slice %arg3[%mul3A_2] : memref<16384xi32, #tpu.memory_space<hbm>> -> memref<512xi32, #tpu.memory_space<hbm>>
      tpu.wait_dma2 semaphore(%run_scoped3A : memref<!tpu.dma_semaphore, #tpu.memory_space<semaphore_mem>>) src(%dma_wait3A_10 : memref<512xi32, #tpu.memory_space<hbm>>) dst(%arg5 : memref<512xi32, #tpu.memory_space<vmem>>)
      tpu.yield
    }) : () -> ()
    %dma_start3A = arith.constant 0 : i32
    %dma_start3A_3 = arith.constant 0 : i32
    %dma_start3A_4 = tpu.memref_slice %arg2[%dma_start3A, %dma_start3A_3] : memref<1024x128xf32, #tpu.memory_space<hbm>> -> memref<1024x128xf32, #tpu.memory_space<hbm>>
    tpu.enqueue_indirect_dma source(%dma_start3A_4 : memref<1024x128xf32, #tpu.memory_space<hbm>>) target(%arg6 : memref<512x128xf32, #tpu.memory_space<vmem>>) offsets(%arg5 : memref<512xi32, #tpu.memory_space<vmem>>) semaphore(%arg7 : memref<!tpu.dma_semaphore, #tpu.memory_space<semaphore_mem>>)
    %dma_wait3A = arith.constant 0 : i32
    %dma_wait3A_5 = arith.constant 0 : i32
    %dma_wait3A_6 = tpu.memref_slice %arg2[%dma_wait3A, %dma_wait3A_5] : memref<1024x128xf32, #tpu.memory_space<hbm>> -> memref<1024x128xf32, #tpu.memory_space<hbm>>
    tpu.wait_indirect_dma semaphore(%arg7 : memref<!tpu.dma_semaphore, #tpu.memory_space<semaphore_mem>>) src(%dma_wait3A_6 : memref<1024x128xf32, #tpu.memory_space<hbm>>) dst(%arg6 : memref<512x128xf32, #tpu.memory_space<vmem>>)
    "tpu.region"() ({
      %run_scoped3A = tpu.sem_alloc : memref<!tpu.dma_semaphore, #tpu.memory_space<semaphore_mem>>
      %dma_start3A_7 = arith.constant 0 : i32
      %dma_start3A_8 = tpu.memref_slice %arg4[%mul3A_2, %dma_start3A_7] : memref<16384x128xf32, #tpu.memory_space<hbm>> -> memref<512x128xf32, #tpu.memory_space<hbm>>
      %dma_start3A_9 = arith.constant 0 : i32
      %dma_start3A_10 = tpu.memref_slice %arg4[%mul3A_2, %dma_start3A_9] : memref<16384x128xf32, #tpu.memory_space<hbm>> -> memref<512x128xf32, #tpu.memory_space<hbm>>
      tpu.enqueue_dma source(%arg6 : memref<512x128xf32, #tpu.memory_space<vmem>>) target(%dma_start3A_10 : memref<512x128xf32, #tpu.memory_space<hbm>>) target_semaphore(%run_scoped3A : memref<!tpu.dma_semaphore, #tpu.memory_space<semaphore_mem>>)
      %dma_wait3A_11 = arith.constant 0 : i32
      %dma_wait3A_12 = tpu.memref_slice %arg4[%mul3A_2, %dma_wait3A_11] : memref<16384x128xf32, #tpu.memory_space<hbm>> -> memref<512x128xf32, #tpu.memory_space<hbm>>
      %dma_wait3A_13 = arith.constant 0 : i32
      %dma_wait3A_14 = tpu.memref_slice %arg4[%mul3A_2, %dma_wait3A_13] : memref<16384x128xf32, #tpu.memory_space<hbm>> -> memref<512x128xf32, #tpu.memory_space<hbm>>
      tpu.wait_dma2 semaphore(%run_scoped3A : memref<!tpu.dma_semaphore, #tpu.memory_space<semaphore_mem>>) src(%arg6 : memref<512x128xf32, #tpu.memory_space<vmem>>) dst(%dma_wait3A_14 : memref<512x128xf32, #tpu.memory_space<hbm>>)
      tpu.yield
    }) : () -> ()
    return
  }
}

module attributes {stable_mosaic.version = 14 : i64} {
  func.func @_vq_block_kernel(%arg0: i32, %arg1: memref<2048x64xf32, #tpu.memory_space<vmem>>, %arg2: memref<1024x64xf32, #tpu.memory_space<vmem>>, %arg3: memref<2048x1xf32, #tpu.memory_space<vmem>>, %arg4: memref<1x1024xf32, #tpu.memory_space<vmem>>, %arg5: memref<2048x1024xf32, #tpu.memory_space<vmem>>, %arg6: memref<2048x1xi32, #tpu.memory_space<vmem>>, %arg7: memref<1x1024xf32, #tpu.memory_space<vmem>>, %arg8: memref<1x1xf32, #tpu.memory_space<vmem>>) attributes {dimension_semantics = [#tpu.dimension_semantics<arbitrary>], iteration_bounds = array<i64: 8>, scalar_prefetch = 0 : i64, scratch_operands = 0 : i64, tpu.core_type = #tpu.core_type<tc>, window_params = [{transform_indices = @transform_0, window_bounds = array<i64: 2048, 64>}, {pipeline_mode = #tpu.pipeline_mode<synchronous>, transform_indices = @transform_1, window_bounds = array<i64: 1024, 64>}, {transform_indices = @transform_2, window_bounds = array<i64: 2048, 1>}, {pipeline_mode = #tpu.pipeline_mode<synchronous>, transform_indices = @transform_3, window_bounds = array<i64: 1, 1024>}, {transform_indices = @transform_4, window_bounds = array<i64: 2048, 1024>}, {transform_indices = @transform_5, window_bounds = array<i64: 2048, 1>}, {pipeline_mode = #tpu.pipeline_mode<synchronous>, transform_indices = @transform_6, window_bounds = array<i64: 1, 1024>}, {pipeline_mode = #tpu.pipeline_mode<synchronous>, transform_indices = @transform_7, window_bounds = array<i64: 1, 1>}]} {
    %get3A = arith.constant 0 : index
    %get3A_0 = arith.constant 0 : index
    %get3A_1 = vector.load %arg1[%get3A, %get3A_0] : memref<2048x64xf32, #tpu.memory_space<vmem>>, vector<2048x64xf32>
    %get3A_2 = arith.constant 0 : index
    %get3A_3 = arith.constant 0 : index
    %get3A_4 = vector.load %arg2[%get3A_2, %get3A_3] : memref<1024x64xf32, #tpu.memory_space<vmem>>, vector<1024x64xf32>
    %dot_general3A = arith.constant dense<0.000000e+00> : vector<2048x1024xf32>
    %dot_general3A_5 = tpu.matmul %get3A_1, %get3A_4, %dot_general3A {dimension_numbers = #tpu.dot_dimension_numbers<[1], [1], [0], [0], [0, 0, 1, 0], [], []>, transpose_lhs_hint = false} : vector<2048x64xf32>, vector<1024x64xf32>, vector<2048x1024xf32> -> vector<2048x1024xf32>
    %get3A_6 = arith.constant 0 : index
    %get3A_7 = arith.constant 0 : index
    %get3A_8 = vector.load %arg3[%get3A_6, %get3A_7] : memref<2048x1xf32, #tpu.memory_space<vmem>>, vector<2048x1xf32>
    %get3A_9 = arith.constant 0 : index
    %get3A_10 = arith.constant 0 : index
    %get3A_11 = vector.load %arg4[%get3A_9, %get3A_10] : memref<1x1024xf32, #tpu.memory_space<vmem>>, vector<1x1024xf32>
    %add3A = vector.broadcast %get3A_8 : vector<2048x1xf32> to vector<2048x1024xf32>
    %add3A_12 = vector.broadcast %get3A_11 : vector<1x1024xf32> to vector<2048x1024xf32>
    %add3A_13 = arith.addf %add3A, %add3A_12 : vector<2048x1024xf32>
    %mul3A = arith.constant 2.000000e+00 : f32
    %mul3A_14 = vector.broadcast %mul3A : f32 to vector<2048x1024xf32>
    %mul3A_15 = arith.mulf %mul3A_14, %dot_general3A_5 : vector<2048x1024xf32>
    %sub3A = arith.subf %add3A_13, %mul3A_15 : vector<2048x1024xf32>
    %iota3A = tpu.iota {dimensions = array<i32: 1>} : vector<2048x1024xi32>
    %reduce_min3A = arith.constant dense<0x7F800000> : vector<2048xf32>
    %reduce_min3A_16 = vector.multi_reduction <minimumf>, %sub3A, %reduce_min3A [1] : vector<2048x1024xf32> to vector<2048xf32>
    %broadcast_in_dim3A = vector.shape_cast %reduce_min3A_16 : vector<2048xf32> to vector<2048x1xf32>
    %eq3A = vector.broadcast %broadcast_in_dim3A : vector<2048x1xf32> to vector<2048x1024xf32>
    %eq3A_17 = arith.cmpf oeq, %sub3A, %eq3A : vector<2048x1024xf32>
    %jit3A = arith.constant 1024 : i32
    %broadcast_in_dim3A_18 = vector.broadcast %jit3A : i32 to vector<2048x1024xi32>
    %select_n3A = arith.select %eq3A_17, %iota3A, %broadcast_in_dim3A_18 : vector<2048x1024xi1>, vector<2048x1024xi32>
    %reduce_min3A_19 = arith.constant dense<2147483647> : vector<2048xi32>
    %reduce_min3A_20 = vector.multi_reduction <minsi>, %select_n3A, %reduce_min3A_19 [1] : vector<2048x1024xi32> to vector<2048xi32>
    %broadcast_in_dim3A_21 = vector.shape_cast %reduce_min3A_20 : vector<2048xi32> to vector<2048x1xi32>
    %eq3A_22 = vector.broadcast %broadcast_in_dim3A_21 : vector<2048x1xi32> to vector<2048x1024xi32>
    %eq3A_23 = arith.cmpi eq, %iota3A, %eq3A_22 : vector<2048x1024xi32>
    %convert_element_type3A = arith.extui %eq3A_23 : vector<2048x1024xi1> to vector<2048x1024xi32>
    %convert_element_type3A_24 = arith.sitofp %convert_element_type3A : vector<2048x1024xi32> to vector<2048x1024xf32>
    %swap3A = arith.constant 0 : index
    %swap3A_25 = arith.constant 0 : index
    %swap3A_26 = vector.load %arg5[%swap3A, %swap3A_25] : memref<2048x1024xf32, #tpu.memory_space<vmem>>, vector<2048x1024xf32>
    tpu.vector_store %arg5[%swap3A, %swap3A_25], %convert_element_type3A_24 {strides = array<i32>} : memref<2048x1024xf32, #tpu.memory_space<vmem>>, vector<2048x1024xf32>,
    %broadcast_in_dim3A_27 = vector.shape_cast %reduce_min3A_20 : vector<2048xi32> to vector<2048x1xi32>
    %swap3A_28 = arith.constant 0 : index
    %swap3A_29 = arith.constant 0 : index
    %swap3A_30 = vector.load %arg6[%swap3A_28, %swap3A_29] : memref<2048x1xi32, #tpu.memory_space<vmem>>, vector<2048x1xi32>
    tpu.vector_store %arg6[%swap3A_28, %swap3A_29], %broadcast_in_dim3A_27 {strides = array<i32>} : memref<2048x1xi32, #tpu.memory_space<vmem>>, vector<2048x1xi32>,
    %broadcast_in_dim3A_31 = arith.constant 1.000000e+00 : f32
    %broadcast_in_dim3A_32 = vector.broadcast %broadcast_in_dim3A_31 : f32 to vector<1x2048xf32>
    %dot_general3A_33 = arith.constant dense<0.000000e+00> : vector<1x1024xf32>
    %dot_general3A_34 = tpu.matmul %broadcast_in_dim3A_32, %convert_element_type3A_24, %dot_general3A_33 {dimension_numbers = #tpu.dot_dimension_numbers<[1], [0], [0], [1], [0, 0, 1, 1], [], []>, transpose_lhs_hint = false} : vector<1x2048xf32>, vector<2048x1024xf32>, vector<1x1024xf32> -> vector<1x1024xf32>
    %reduce_sum3A = vector.shape_cast %broadcast_in_dim3A : vector<2048x1xf32> to vector<1x2048x1xf32>
    %reduce_sum3A_35 = arith.constant dense<0.000000e+00> : vector<1xf32>
    %reduce_sum3A_36 = vector.multi_reduction <add>, %reduce_sum3A, %reduce_sum3A_35 [1, 2] : vector<1x2048x1xf32> to vector<1xf32>
    %reduce_sum3A_37 = vector.shape_cast %reduce_sum3A_36 : vector<1xf32> to vector<1x1x1xf32>
    %reduce_sum3A_38 = vector.extract %reduce_sum3A_37[0, 0, 0] : f32 from vector<1x1x1xf32>
    %eq3A_39 = arith.constant 0 : i32
    %eq3A_40 = arith.cmpi eq, %arg0, %eq3A_39 : i32
    %convert_element_type3A_41 = arith.extui %eq3A_40 : i1 to i32
    %cond3A = arith.constant 0 : i32
    %cond3A_42 = arith.cmpi ne, %convert_element_type3A_41, %cond3A : i32
    scf.if %cond3A_42 {
      %broadcast_in_dim3A_58 = arith.constant 0.000000e+00 : f32
      %broadcast_in_dim3A_59 = vector.broadcast %broadcast_in_dim3A_58 : f32 to vector<1x1024xf32>
      %swap3A_60 = arith.constant 0 : index
      %swap3A_61 = arith.constant 0 : index
      %swap3A_62 = vector.load %arg7[%swap3A_60, %swap3A_61] : memref<1x1024xf32, #tpu.memory_space<vmem>>, vector<1x1024xf32>
      tpu.vector_store %arg7[%swap3A_60, %swap3A_61], %broadcast_in_dim3A_59 {strides = array<i32>} : memref<1x1024xf32, #tpu.memory_space<vmem>>, vector<1x1024xf32>,
      %broadcast_in_dim3A_63 = arith.constant 0.000000e+00 : f32
      %broadcast_in_dim3A_64 = vector.broadcast %broadcast_in_dim3A_63 : f32 to vector<1x1xf32>
      %swap3A_65 = arith.constant 0 : index
      %swap3A_66 = arith.constant 0 : index
      %swap3A_67 = vector.load %arg8[%swap3A_65, %swap3A_66] : memref<1x1xf32, #tpu.memory_space<vmem>>, vector<1x1xf32>
      tpu.vector_store %arg8[%swap3A_65, %swap3A_66], %broadcast_in_dim3A_64 {strides = array<i32>} : memref<1x1xf32, #tpu.memory_space<vmem>>, vector<1x1xf32>,
    } else {
    }
    %get3A_43 = arith.constant 0 : index
    %get3A_44 = arith.constant 0 : index
    %get3A_45 = vector.load %arg7[%get3A_43, %get3A_44] : memref<1x1024xf32, #tpu.memory_space<vmem>>, vector<1x1024xf32>
    %add3A_46 = arith.addf %get3A_45, %dot_general3A_34 : vector<1x1024xf32>
    %swap3A_47 = arith.constant 0 : index
    %swap3A_48 = arith.constant 0 : index
    %swap3A_49 = vector.load %arg7[%swap3A_47, %swap3A_48] : memref<1x1024xf32, #tpu.memory_space<vmem>>, vector<1x1024xf32>
    tpu.vector_store %arg7[%swap3A_47, %swap3A_48], %add3A_46 {strides = array<i32>} : memref<1x1024xf32, #tpu.memory_space<vmem>>, vector<1x1024xf32>,
    %get3A_50 = arith.constant 0 : index
    %get3A_51 = arith.constant 0 : index
    %get3A_52 = vector.load %arg8[%get3A_50, %get3A_51] : memref<1x1xf32, #tpu.memory_space<vmem>>, vector<1x1xf32>
    %add3A_53 = vector.broadcast %reduce_sum3A_38 : f32 to vector<1x1xf32>
    %add3A_54 = arith.addf %get3A_52, %add3A_53 : vector<1x1xf32>
    %swap3A_55 = arith.constant 0 : index
    %swap3A_56 = arith.constant 0 : index
    %swap3A_57 = vector.load %arg8[%swap3A_55, %swap3A_56] : memref<1x1xf32, #tpu.memory_space<vmem>>, vector<1x1xf32>
    tpu.vector_store %arg8[%swap3A_55, %swap3A_56], %add3A_54 {strides = array<i32>} : memref<1x1xf32, #tpu.memory_space<vmem>>, vector<1x1xf32>,
    return
  }
  func.func @transform_0(%arg0: i32) -> (i32, i32) {
    %c0_i32 = arith.constant 0 : i32
    %c0_i32_0 = arith.constant 0 : i32
    return %arg0, %c0_i32 : i32, i32
  }
  func.func @transform_1(%arg0: i32) -> (i32, i32) {
    %c0_i32 = arith.constant 0 : i32
    %c0_i32_0 = arith.constant 0 : i32
    %c0_i32_1 = arith.constant 0 : i32
    return %c0_i32, %c0_i32_0 : i32, i32
  }
  func.func @transform_2(%arg0: i32) -> (i32, i32) {
    %c0_i32 = arith.constant 0 : i32
    %c0_i32_0 = arith.constant 0 : i32
    return %arg0, %c0_i32 : i32, i32
  }
  func.func @transform_3(%arg0: i32) -> (i32, i32) {
    %c0_i32 = arith.constant 0 : i32
    %c0_i32_0 = arith.constant 0 : i32
    %c0_i32_1 = arith.constant 0 : i32
    return %c0_i32, %c0_i32_0 : i32, i32
  }
  func.func @transform_4(%arg0: i32) -> (i32, i32) {
    %c0_i32 = arith.constant 0 : i32
    %c0_i32_0 = arith.constant 0 : i32
    return %arg0, %c0_i32 : i32, i32
  }
  func.func @transform_5(%arg0: i32) -> (i32, i32) {
    %c0_i32 = arith.constant 0 : i32
    %c0_i32_0 = arith.constant 0 : i32
    return %arg0, %c0_i32 : i32, i32
  }
  func.func @transform_6(%arg0: i32) -> (i32, i32) {
    %c0_i32 = arith.constant 0 : i32
    %c0_i32_0 = arith.constant 0 : i32
    %c0_i32_1 = arith.constant 0 : i32
    return %c0_i32, %c0_i32_0 : i32, i32
  }
  func.func @transform_7(%arg0: i32) -> (i32, i32) {
    %c0_i32 = arith.constant 0 : i32
    %c0_i32_0 = arith.constant 0 : i32
    %c0_i32_1 = arith.constant 0 : i32
    return %c0_i32, %c0_i32_0 : i32, i32
  }
}

module attributes {stable_mosaic.version = 14 : i64} {
  func.func @_tail_kernel(%arg0: memref<1x1024xf32, #tpu.memory_space<vmem>>, %arg1: memref<1024x1xf32, #tpu.memory_space<vmem>>, %arg2: memref<1x1xf32, #tpu.memory_space<vmem>>, %arg3: memref<1x1xf32, #tpu.memory_space<vmem>>, %arg4: memref<1x1xf32, #tpu.memory_space<vmem>>, %arg5: memref<1x1024xf32, #tpu.memory_space<vmem>>, %arg6: memref<1x1024xf32, #tpu.memory_space<vmem>>) attributes {dimension_semantics = [], scalar_prefetch = 0 : i64, scratch_operands = 0 : i64, tpu.core_type = #tpu.core_type<tc>} {
    %get3A = arith.constant 0 : index
    %get3A_0 = arith.constant 0 : index
    %get3A_1 = vector.load %arg0[%get3A, %get3A_0] : memref<1x1024xf32, #tpu.memory_space<vmem>>, vector<1x1024xf32>
    %get3A_2 = arith.constant 0 : index
    %get3A_3 = arith.constant 0 : index
    %get3A_4 = vector.load %arg1[%get3A_2, %get3A_3] : memref<1024x1xf32, #tpu.memory_space<vmem>>, vector<1024x1xf32>
    %mul3A = arith.constant 6.10351563E-5 : f32
    %mul3A_5 = vector.broadcast %mul3A : f32 to vector<1x1024xf32>
    %mul3A_6 = arith.mulf %get3A_1, %mul3A_5 : vector<1x1024xf32>
    %swap3A = arith.constant 0 : index
    %swap3A_7 = arith.constant 0 : index
    %swap3A_8 = vector.load %arg5[%swap3A, %swap3A_7] : memref<1x1024xf32, #tpu.memory_space<vmem>>, vector<1x1024xf32>
    tpu.vector_store %arg5[%swap3A, %swap3A_7], %mul3A_6 {strides = array<i32>} : memref<1x1024xf32, #tpu.memory_space<vmem>>, vector<1x1024xf32>,
    %add3A = arith.constant 1.000000e-10 : f32
    %add3A_9 = vector.broadcast %add3A : f32 to vector<1x1024xf32>
    %add3A_10 = arith.addf %mul3A_6, %add3A_9 : vector<1x1024xf32>
    %log3A = math.log %add3A_10 : vector<1x1024xf32>
    %mul3A_11 = arith.mulf %mul3A_6, %log3A : vector<1x1024xf32>
    %reduce_sum3A = vector.shape_cast %mul3A_11 : vector<1x1024xf32> to vector<1x1x1024xf32>
    %reduce_sum3A_12 = arith.constant dense<0.000000e+00> : vector<1xf32>
    %reduce_sum3A_13 = vector.multi_reduction <add>, %reduce_sum3A, %reduce_sum3A_12 [1, 2] : vector<1x1x1024xf32> to vector<1xf32>
    %reduce_sum3A_14 = vector.shape_cast %reduce_sum3A_13 : vector<1xf32> to vector<1x1x1xf32>
    %reduce_sum3A_15 = vector.extract %reduce_sum3A_14[0, 0, 0] : f32 from vector<1x1x1xf32>
    %neg3A = arith.constant 0.000000e+00 : f32
    %neg3A_16 = arith.subf %neg3A, %reduce_sum3A_15 : f32
    %exp3A = math.exp %neg3A_16 : f32
    %broadcast_in_dim3A = arith.constant 0.000000e+00 : f32
    %broadcast_in_dim3A_17 = vector.broadcast %broadcast_in_dim3A : f32 to vector<1x1xf32>
    %add3A_18 = vector.broadcast %exp3A : f32 to vector<1x1xf32>
    %add3A_19 = arith.addf %broadcast_in_dim3A_17, %add3A_18 : vector<1x1xf32>
    %swap3A_20 = arith.constant 0 : index
    %swap3A_21 = arith.constant 0 : index
    %swap3A_22 = vector.load %arg4[%swap3A_20, %swap3A_21] : memref<1x1xf32, #tpu.memory_space<vmem>>, vector<1x1xf32>
    tpu.vector_store %arg4[%swap3A_20, %swap3A_21], %add3A_19 {strides = array<i32>} : memref<1x1xf32, #tpu.memory_space<vmem>>, vector<1x1xf32>,
    %iota3A = tpu.iota {dimensions = array<i32: 1>} : vector<1x1024xi32>
    %convert_element_type3A = arith.sitofp %iota3A : vector<1x1024xi32> to vector<1x1024xf32>
    %sub3A = arith.constant 5.115000e+02 : f32
    %sub3A_23 = vector.broadcast %sub3A : f32 to vector<1x1024xf32>
    %sub3A_24 = arith.subf %convert_element_type3A, %sub3A_23 : vector<1x1024xf32>
    %div3A = arith.constant 170.666672 : f32
    %div3A_25 = vector.broadcast %div3A : f32 to vector<1x1024xf32>
    %div3A_26 = arith.divf %sub3A_24, %div3A_25 : vector<1x1024xf32>
    %integer_pow3A = arith.mulf %div3A_26, %div3A_26 : vector<1x1024xf32>
    %mul3A_27 = arith.constant -5.000000e-01 : f32
    %mul3A_28 = vector.broadcast %mul3A_27 : f32 to vector<1x1024xf32>
    %mul3A_29 = arith.mulf %mul3A_28, %integer_pow3A : vector<1x1024xf32>
    %exp3A_30 = math.exp %mul3A_29 : vector<1x1024xf32>
    %reduce_sum3A_31 = vector.shape_cast %exp3A_30 : vector<1x1024xf32> to vector<1x1x1024xf32>
    %reduce_sum3A_32 = arith.constant dense<0.000000e+00> : vector<1xf32>
    %reduce_sum3A_33 = vector.multi_reduction <add>, %reduce_sum3A_31, %reduce_sum3A_32 [1, 2] : vector<1x1x1024xf32> to vector<1xf32>
    %reduce_sum3A_34 = vector.shape_cast %reduce_sum3A_33 : vector<1xf32> to vector<1x1x1xf32>
    %reduce_sum3A_35 = vector.extract %reduce_sum3A_34[0, 0, 0] : f32 from vector<1x1x1xf32>
    %jit3A = arith.constant 9.99999996E-13 : f32
    %max3A = arith.maximumf %jit3A, %reduce_sum3A_35 : f32
    %div3A_36 = vector.broadcast %max3A : f32 to vector<1x1024xf32>
    %div3A_37 = arith.divf %exp3A_30, %div3A_36 : vector<1x1024xf32>
    %swap3A_38 = arith.constant 0 : index
    %swap3A_39 = arith.constant 0 : index
    %swap3A_40 = vector.load %arg6[%swap3A_38, %swap3A_39] : memref<1x1024xf32, #tpu.memory_space<vmem>>, vector<1x1024xf32>
    tpu.vector_store %arg6[%swap3A_38, %swap3A_39], %div3A_37 {strides = array<i32>} : memref<1x1024xf32, #tpu.memory_space<vmem>>, vector<1x1024xf32>,
    %jit3A_41 = arith.constant 9.99999996E-13 : f32
    %max3A_42 = vector.broadcast %jit3A_41 : f32 to vector<1x1024xf32>
    %max3A_43 = arith.maximumf %max3A_42, %div3A_37 : vector<1x1024xf32>
    %reduce_sum3A_44 = vector.shape_cast %max3A_43 : vector<1x1024xf32> to vector<1x1x1024xf32>
    %reduce_sum3A_45 = arith.constant dense<0.000000e+00> : vector<1xf32>
    %reduce_sum3A_46 = vector.multi_reduction <add>, %reduce_sum3A_44, %reduce_sum3A_45 [1, 2] : vector<1x1x1024xf32> to vector<1xf32>
    %reduce_sum3A_47 = vector.shape_cast %reduce_sum3A_46 : vector<1xf32> to vector<1x1x1xf32>
    %reduce_sum3A_48 = vector.extract %reduce_sum3A_47[0, 0, 0] : f32 from vector<1x1x1xf32>
    %div3A_49 = vector.broadcast %reduce_sum3A_48 : f32 to vector<1x1024xf32>
    %div3A_50 = arith.divf %max3A_43, %div3A_49 : vector<1x1024xf32>
    %jit3A_51 = arith.constant 9.99999996E-13 : f32
    %max3A_52 = vector.broadcast %jit3A_51 : f32 to vector<1x1024xf32>
    %max3A_53 = arith.maximumf %max3A_52, %div3A_50 : vector<1x1024xf32>
    %log3A_54 = math.log %max3A_53 : vector<1x1024xf32>
    %mul3A_55 = arith.constant 6.10351563E-5 : f32
    %mul3A_56 = vector.broadcast %mul3A_55 : f32 to vector<1024x1xf32>
    %mul3A_57 = arith.mulf %get3A_4, %mul3A_56 : vector<1024x1xf32>
    %jit3A_58 = arith.constant 9.99999996E-13 : f32
    %max3A_59 = vector.broadcast %jit3A_58 : f32 to vector<1024x1xf32>
    %max3A_60 = arith.maximumf %max3A_59, %mul3A_57 : vector<1024x1xf32>
    %reduce_sum3A_61 = vector.shape_cast %max3A_60 : vector<1024x1xf32> to vector<1x1024x1xf32>
    %reduce_sum3A_62 = arith.constant dense<0.000000e+00> : vector<1xf32>
    %reduce_sum3A_63 = vector.multi_reduction <add>, %reduce_sum3A_61, %reduce_sum3A_62 [1, 2] : vector<1x1024x1xf32> to vector<1xf32>
    %reduce_sum3A_64 = vector.shape_cast %reduce_sum3A_63 : vector<1xf32> to vector<1x1x1xf32>
    %reduce_sum3A_65 = vector.extract %reduce_sum3A_64[0, 0, 0] : f32 from vector<1x1x1xf32>
    %div3A_66 = vector.broadcast %reduce_sum3A_65 : f32 to vector<1024x1xf32>
    %div3A_67 = arith.divf %max3A_60, %div3A_66 : vector<1024x1xf32>
    %jit3A_68 = arith.constant 9.99999996E-13 : f32
    %max3A_69 = vector.broadcast %jit3A_68 : f32 to vector<1024x1xf32>
    %max3A_70 = arith.maximumf %max3A_69, %div3A_67 : vector<1024x1xf32>
    %reduce_sum3A_71 = vector.shape_cast %max3A_70 : vector<1024x1xf32> to vector<1x1024x1xf32>
    %reduce_sum3A_72 = arith.constant dense<0.000000e+00> : vector<1xf32>
    %reduce_sum3A_73 = vector.multi_reduction <add>, %reduce_sum3A_71, %reduce_sum3A_72 [1, 2] : vector<1x1024x1xf32> to vector<1xf32>
    %reduce_sum3A_74 = vector.shape_cast %reduce_sum3A_73 : vector<1xf32> to vector<1x1x1xf32>
    %reduce_sum3A_75 = vector.extract %reduce_sum3A_74[0, 0, 0] : f32 from vector<1x1x1xf32>
    %div3A_76 = vector.broadcast %reduce_sum3A_75 : f32 to vector<1024x1xf32>
    %div3A_77 = arith.divf %max3A_70, %div3A_76 : vector<1024x1xf32>
    %iota3A_78 = tpu.iota {dimensions = array<i32: 0>} : vector<8x128x256xi32>
    %iota3A_79 = tpu.iota {dimensions = array<i32: 1>} : vector<8x128x256xi32>
    %iota3A_80 = tpu.iota {dimensions = array<i32: 2>} : vector<8x128x256xi32>
    %mul3A_81 = arith.constant 128 : i32
    %mul3A_82 = vector.broadcast %mul3A_81 : i32 to vector<8x128x256xi32>
    %mul3A_83 = arith.muli %iota3A_78, %mul3A_82 : vector<8x128x256xi32>
    %add3A_84 = arith.addi %mul3A_83, %iota3A_79 : vector<8x128x256xi32>
    %mul3A_85 = arith.constant 128 : i32
    %mul3A_86 = vector.broadcast %mul3A_85 : i32 to vector<8x128x256xi32>
    %mul3A_87 = arith.muli %iota3A_78, %mul3A_86 : vector<8x128x256xi32>
    %sub3A_88 = arith.constant 64 : i32
    %sub3A_89 = vector.broadcast %sub3A_88 : i32 to vector<8x128x256xi32>
    %sub3A_90 = arith.subi %mul3A_87, %sub3A_89 : vector<8x128x256xi32>
    %jit3A_91 = arith.constant 0 : i32
    %jit3A_92 = arith.constant 768 : i32
    %max3A_93 = vector.broadcast %jit3A_91 : i32 to vector<8x128x256xi32>
    %max3A_94 = arith.maxsi %max3A_93, %sub3A_90 : vector<8x128x256xi32>
    %min3A = vector.broadcast %jit3A_92 : i32 to vector<8x128x256xi32>
    %min3A_95 = arith.minsi %min3A, %max3A_94 : vector<8x128x256xi32>
    %add3A_96 = arith.addi %min3A_95, %iota3A_80 : vector<8x128x256xi32>
    %sub3A_97 = arith.subi %add3A_84, %add3A_96 : vector<8x128x256xi32>
    %abs3A = math.absi %sub3A_97 : vector<8x128x256xi32>
    %convert_element_type3A_98 = arith.sitofp %abs3A : vector<8x128x256xi32> to vector<8x128x256xf32>
    %mul3A_99 = arith.constant 2.000000e+01 : f32
    %mul3A_100 = vector.broadcast %mul3A_99 : f32 to vector<8x128x256xf32>
    %mul3A_101 = arith.mulf %convert_element_type3A_98, %mul3A_100 : vector<8x128x256xf32>
    %reshape3A = vector.shape_cast %div3A_77 : vector<1024x1xf32> to vector<8x128x1xf32>
    %broadcast_in_dim3A_102 = arith.constant 0.000000e+00 : f32
    %broadcast_in_dim3A_103 = vector.broadcast %broadcast_in_dim3A_102 : f32 to vector<1x1024xf32>
    %scan3A = arith.constant 0 : i32
    %scan3A_104 = arith.constant 10 : i32
    %scan3A_105 = arith.addi %scan3A, %scan3A_104 : i32
    %scan3A_106 = arith.constant 1 : i32
    %scan3A_107 = scf.for %scan3A_165 = %scan3A to %scan3A_105 step %scan3A_106 iter_args(%scan3A_166 = %broadcast_in_dim3A_103) -> (vector<1x1024xf32>)  : i32 {
      %mul3A_167 = arith.constant 2.000000e+01 : f32
      %mul3A_168 = vector.broadcast %mul3A_167 : f32 to vector<1x1024xf32>
      %mul3A_169 = arith.mulf %scan3A_166, %mul3A_168 : vector<1x1024xf32>
      %add3A_170 = arith.addf %log3A_54, %mul3A_169 : vector<1x1024xf32>
      %slice3A_171 = vector.extract_strided_slice %add3A_170 {offsets = [0, 0], sizes = [1, 256], strides = [1, 1]} : vector<1x1024xf32> to vector<1x256xf32>
      %slice3A_172 = vector.extract_strided_slice %add3A_170 {offsets = [0, 64], sizes = [1, 256], strides = [1, 1]} : vector<1x1024xf32> to vector<1x256xf32>
      %slice3A_173 = vector.extract_strided_slice %add3A_170 {offsets = [0, 192], sizes = [1, 256], strides = [1, 1]} : vector<1x1024xf32> to vector<1x256xf32>
      %slice3A_174 = vector.extract_strided_slice %add3A_170 {offsets = [0, 320], sizes = [1, 256], strides = [1, 1]} : vector<1x1024xf32> to vector<1x256xf32>
      %slice3A_175 = vector.extract_strided_slice %add3A_170 {offsets = [0, 448], sizes = [1, 256], strides = [1, 1]} : vector<1x1024xf32> to vector<1x256xf32>
      %slice3A_176 = vector.extract_strided_slice %add3A_170 {offsets = [0, 576], sizes = [1, 256], strides = [1, 1]} : vector<1x1024xf32> to vector<1x256xf32>
      %slice3A_177 = vector.extract_strided_slice %add3A_170 {offsets = [0, 704], sizes = [1, 256], strides = [1, 1]} : vector<1x1024xf32> to vector<1x256xf32>
      %slice3A_178 = vector.extract_strided_slice %add3A_170 {offsets = [0, 768], sizes = [1, 256], strides = [1, 1]} : vector<1x1024xf32> to vector<1x256xf32>
      %concatenate3A_179 = tpu.concatenate %slice3A_171, %slice3A_172, %slice3A_173, %slice3A_174, %slice3A_175, %slice3A_176, %slice3A_177, %slice3A_178 in 0 : vector<1x256xf32>, vector<1x256xf32>, vector<1x256xf32>, vector<1x256xf32>, vector<1x256xf32>, vector<1x256xf32>, vector<1x256xf32>, vector<1x256xf32> -> vector<8x256xf32>
      %broadcast_in_dim3A_180 = vector.shape_cast %concatenate3A_179 : vector<8x256xf32> to vector<8x1x256xf32>
      %sub3A_181 = vector.broadcast %broadcast_in_dim3A_180 : vector<8x1x256xf32> to vector<8x128x256xf32>
      %sub3A_182 = arith.subf %sub3A_181, %mul3A_101 : vector<8x128x256xf32>
      %reduce_max3A_183 = arith.constant dense<0xFF800000> : vector<8x128xf32>
      %reduce_max3A_184 = vector.multi_reduction <maximumf>, %sub3A_182, %reduce_max3A_183 [2] : vector<8x128x256xf32> to vector<8x128xf32>
      %broadcast_in_dim3A_185 = vector.shape_cast %reduce_max3A_184 : vector<8x128xf32> to vector<8x128x1xf32>
      %sub3A_186 = vector.broadcast %broadcast_in_dim3A_185 : vector<8x128x1xf32> to vector<8x128x256xf32>
      %sub3A_187 = arith.subf %sub3A_182, %sub3A_186 : vector<8x128x256xf32>
      %exp3A_188 = math.exp %sub3A_187 : vector<8x128x256xf32>
      %reduce_sum3A_189 = arith.constant dense<0.000000e+00> : vector<8x128xf32>
      %reduce_sum3A_190 = vector.multi_reduction <add>, %exp3A_188, %reduce_sum3A_189 [2] : vector<8x128x256xf32> to vector<8x128xf32>
      %broadcast_in_dim3A_191 = vector.shape_cast %reduce_sum3A_190 : vector<8x128xf32> to vector<8x128x1xf32>
      %div3A_192 = arith.divf %reshape3A, %broadcast_in_dim3A_191 : vector<8x128x1xf32>
      %mul3A_193 = vector.broadcast %div3A_192 : vector<8x128x1xf32> to vector<8x128x256xf32>
      %mul3A_194 = arith.mulf %mul3A_193, %exp3A_188 : vector<8x128x256xf32>
      %reduce_sum3A_195 = arith.constant dense<0.000000e+00> : vector<8x256xf32>
      %reduce_sum3A_196 = vector.multi_reduction <add>, %mul3A_194, %reduce_sum3A_195 [1] : vector<8x128x256xf32> to vector<8x256xf32>
      %broadcast_in_dim3A_197 = arith.constant 0.000000e+00 : f32
      %broadcast_in_dim3A_198 = vector.broadcast %broadcast_in_dim3A_197 : f32 to vector<1x1024xf32>
      %slice3A_199 = vector.extract_strided_slice %reduce_sum3A_196 {offsets = [0, 0], sizes = [1, 256], strides = [1, 1]} : vector<8x256xf32> to vector<1x256xf32>
      %broadcast_in_dim3A_200 = arith.constant 0.000000e+00 : f32
      %broadcast_in_dim3A_201 = vector.broadcast %broadcast_in_dim3A_200 : f32 to vector<1x768xf32>
      %concatenate3A_202 = tpu.concatenate %slice3A_199, %broadcast_in_dim3A_201 in 1 : vector<1x256xf32>, vector<1x768xf32> -> vector<1x1024xf32>
      %add3A_203 = arith.addf %broadcast_in_dim3A_198, %concatenate3A_202 : vector<1x1024xf32>
      %broadcast_in_dim3A_204 = arith.constant 0.000000e+00 : f32
      %broadcast_in_dim3A_205 = vector.broadcast %broadcast_in_dim3A_204 : f32 to vector<1x64xf32>
      %slice3A_206 = vector.extract_strided_slice %reduce_sum3A_196 {offsets = [1, 0], sizes = [1, 256], strides = [1, 1]} : vector<8x256xf32> to vector<1x256xf32>
      %broadcast_in_dim3A_207 = arith.constant 0.000000e+00 : f32
      %broadcast_in_dim3A_208 = vector.broadcast %broadcast_in_dim3A_207 : f32 to vector<1x704xf32>
      %concatenate3A_209 = tpu.concatenate %broadcast_in_dim3A_205, %slice3A_206, %broadcast_in_dim3A_208 in 1 : vector<1x64xf32>, vector<1x256xf32>, vector<1x704xf32> -> vector<1x1024xf32>
      %add3A_210 = arith.addf %add3A_203, %concatenate3A_209 : vector<1x1024xf32>
      %broadcast_in_dim3A_211 = arith.constant 0.000000e+00 : f32
      %broadcast_in_dim3A_212 = vector.broadcast %broadcast_in_dim3A_211 : f32 to vector<1x192xf32>
      %slice3A_213 = vector.extract_strided_slice %reduce_sum3A_196 {offsets = [2, 0], sizes = [1, 256], strides = [1, 1]} : vector<8x256xf32> to vector<1x256xf32>
      %broadcast_in_dim3A_214 = arith.constant 0.000000e+00 : f32
      %broadcast_in_dim3A_215 = vector.broadcast %broadcast_in_dim3A_214 : f32 to vector<1x576xf32>
      %concatenate3A_216 = tpu.concatenate %broadcast_in_dim3A_212, %slice3A_213, %broadcast_in_dim3A_215 in 1 : vector<1x192xf32>, vector<1x256xf32>, vector<1x576xf32> -> vector<1x1024xf32>
      %add3A_217 = arith.addf %add3A_210, %concatenate3A_216 : vector<1x1024xf32>
      %broadcast_in_dim3A_218 = arith.constant 0.000000e+00 : f32
      %broadcast_in_dim3A_219 = vector.broadcast %broadcast_in_dim3A_218 : f32 to vector<1x320xf32>
      %slice3A_220 = vector.extract_strided_slice %reduce_sum3A_196 {offsets = [3, 0], sizes = [1, 256], strides = [1, 1]} : vector<8x256xf32> to vector<1x256xf32>
      %broadcast_in_dim3A_221 = arith.constant 0.000000e+00 : f32
      %broadcast_in_dim3A_222 = vector.broadcast %broadcast_in_dim3A_221 : f32 to vector<1x448xf32>
      %concatenate3A_223 = tpu.concatenate %broadcast_in_dim3A_219, %slice3A_220, %broadcast_in_dim3A_222 in 1 : vector<1x320xf32>, vector<1x256xf32>, vector<1x448xf32> -> vector<1x1024xf32>
      %add3A_224 = arith.addf %add3A_217, %concatenate3A_223 : vector<1x1024xf32>
      %broadcast_in_dim3A_225 = arith.constant 0.000000e+00 : f32
      %broadcast_in_dim3A_226 = vector.broadcast %broadcast_in_dim3A_225 : f32 to vector<1x448xf32>
      %slice3A_227 = vector.extract_strided_slice %reduce_sum3A_196 {offsets = [4, 0], sizes = [1, 256], strides = [1, 1]} : vector<8x256xf32> to vector<1x256xf32>
      %broadcast_in_dim3A_228 = arith.constant 0.000000e+00 : f32
      %broadcast_in_dim3A_229 = vector.broadcast %broadcast_in_dim3A_228 : f32 to vector<1x320xf32>
      %concatenate3A_230 = tpu.concatenate %broadcast_in_dim3A_226, %slice3A_227, %broadcast_in_dim3A_229 in 1 : vector<1x448xf32>, vector<1x256xf32>, vector<1x320xf32> -> vector<1x1024xf32>
      %add3A_231 = arith.addf %add3A_224, %concatenate3A_230 : vector<1x1024xf32>
      %broadcast_in_dim3A_232 = arith.constant 0.000000e+00 : f32
      %broadcast_in_dim3A_233 = vector.broadcast %broadcast_in_dim3A_232 : f32 to vector<1x576xf32>
      %slice3A_234 = vector.extract_strided_slice %reduce_sum3A_196 {offsets = [5, 0], sizes = [1, 256], strides = [1, 1]} : vector<8x256xf32> to vector<1x256xf32>
      %broadcast_in_dim3A_235 = arith.constant 0.000000e+00 : f32
      %broadcast_in_dim3A_236 = vector.broadcast %broadcast_in_dim3A_235 : f32 to vector<1x192xf32>
      %concatenate3A_237 = tpu.concatenate %broadcast_in_dim3A_233, %slice3A_234, %broadcast_in_dim3A_236 in 1 : vector<1x576xf32>, vector<1x256xf32>, vector<1x192xf32> -> vector<1x1024xf32>
      %add3A_238 = arith.addf %add3A_231, %concatenate3A_237 : vector<1x1024xf32>
      %broadcast_in_dim3A_239 = arith.constant 0.000000e+00 : f32
      %broadcast_in_dim3A_240 = vector.broadcast %broadcast_in_dim3A_239 : f32 to vector<1x704xf32>
      %slice3A_241 = vector.extract_strided_slice %reduce_sum3A_196 {offsets = [6, 0], sizes = [1, 256], strides = [1, 1]} : vector<8x256xf32> to vector<1x256xf32>
      %broadcast_in_dim3A_242 = arith.constant 0.000000e+00 : f32
      %broadcast_in_dim3A_243 = vector.broadcast %broadcast_in_dim3A_242 : f32 to vector<1x64xf32>
      %concatenate3A_244 = tpu.concatenate %broadcast_in_dim3A_240, %slice3A_241, %broadcast_in_dim3A_243 in 1 : vector<1x704xf32>, vector<1x256xf32>, vector<1x64xf32> -> vector<1x1024xf32>
      %add3A_245 = arith.addf %add3A_238, %concatenate3A_244 : vector<1x1024xf32>
      %broadcast_in_dim3A_246 = arith.constant 0.000000e+00 : f32
      %broadcast_in_dim3A_247 = vector.broadcast %broadcast_in_dim3A_246 : f32 to vector<1x768xf32>
      %slice3A_248 = vector.extract_strided_slice %reduce_sum3A_196 {offsets = [7, 0], sizes = [1, 256], strides = [1, 1]} : vector<8x256xf32> to vector<1x256xf32>
      %concatenate3A_249 = tpu.concatenate %broadcast_in_dim3A_247, %slice3A_248 in 1 : vector<1x768xf32>, vector<1x256xf32> -> vector<1x1024xf32>
      %add3A_250 = arith.addf %add3A_245, %concatenate3A_249 : vector<1x1024xf32>
      %sub3A_251 = arith.subf %div3A_50, %add3A_250 : vector<1x1024xf32>
      %mul3A_252 = arith.constant 5.000000e-01 : f32
      %mul3A_253 = vector.broadcast %mul3A_252 : f32 to vector<1x1024xf32>
      %mul3A_254 = arith.mulf %mul3A_253, %sub3A_251 : vector<1x1024xf32>
      %add3A_255 = arith.addf %scan3A_166, %mul3A_254 : vector<1x1024xf32>
      scf.yield %add3A_255 : vector<1x1024xf32>
    }
    %mul3A_108 = arith.constant 2.000000e+01 : f32
    %mul3A_109 = vector.broadcast %mul3A_108 : f32 to vector<1x1024xf32>
    %mul3A_110 = arith.mulf %scan3A_107, %mul3A_109 : vector<1x1024xf32>
    %add3A_111 = arith.addf %log3A_54, %mul3A_110 : vector<1x1024xf32>
    %slice3A = vector.extract_strided_slice %add3A_111 {offsets = [0, 0], sizes = [1, 256], strides = [1, 1]} : vector<1x1024xf32> to vector<1x256xf32>
    %slice3A_112 = vector.extract_strided_slice %add3A_111 {offsets = [0, 64], sizes = [1, 256], strides = [1, 1]} : vector<1x1024xf32> to vector<1x256xf32>
    %slice3A_113 = vector.extract_strided_slice %add3A_111 {offsets = [0, 192], sizes = [1, 256], strides = [1, 1]} : vector<1x1024xf32> to vector<1x256xf32>
    %slice3A_114 = vector.extract_strided_slice %add3A_111 {offsets = [0, 320], sizes = [1, 256], strides = [1, 1]} : vector<1x1024xf32> to vector<1x256xf32>
    %slice3A_115 = vector.extract_strided_slice %add3A_111 {offsets = [0, 448], sizes = [1, 256], strides = [1, 1]} : vector<1x1024xf32> to vector<1x256xf32>
    %slice3A_116 = vector.extract_strided_slice %add3A_111 {offsets = [0, 576], sizes = [1, 256], strides = [1, 1]} : vector<1x1024xf32> to vector<1x256xf32>
    %slice3A_117 = vector.extract_strided_slice %add3A_111 {offsets = [0, 704], sizes = [1, 256], strides = [1, 1]} : vector<1x1024xf32> to vector<1x256xf32>
    %slice3A_118 = vector.extract_strided_slice %add3A_111 {offsets = [0, 768], sizes = [1, 256], strides = [1, 1]} : vector<1x1024xf32> to vector<1x256xf32>
    %concatenate3A = tpu.concatenate %slice3A, %slice3A_112, %slice3A_113, %slice3A_114, %slice3A_115, %slice3A_116, %slice3A_117, %slice3A_118 in 0 : vector<1x256xf32>, vector<1x256xf32>, vector<1x256xf32>, vector<1x256xf32>, vector<1x256xf32>, vector<1x256xf32>, vector<1x256xf32>, vector<1x256xf32> -> vector<8x256xf32>
    %broadcast_in_dim3A_119 = vector.shape_cast %concatenate3A : vector<8x256xf32> to vector<8x1x256xf32>
    %sub3A_120 = vector.broadcast %broadcast_in_dim3A_119 : vector<8x1x256xf32> to vector<8x128x256xf32>
    %sub3A_121 = arith.subf %sub3A_120, %mul3A_101 : vector<8x128x256xf32>
    %reduce_max3A = arith.constant dense<0xFF800000> : vector<8x128xf32>
    %reduce_max3A_122 = vector.multi_reduction <maximumf>, %sub3A_121, %reduce_max3A [2] : vector<8x128x256xf32> to vector<8x128xf32>
    %broadcast_in_dim3A_123 = vector.shape_cast %reduce_max3A_122 : vector<8x128xf32> to vector<8x128x1xf32>
    %sub3A_124 = vector.broadcast %broadcast_in_dim3A_123 : vector<8x128x1xf32> to vector<8x128x256xf32>
    %sub3A_125 = arith.subf %sub3A_121, %sub3A_124 : vector<8x128x256xf32>
    %exp3A_126 = math.exp %sub3A_125 : vector<8x128x256xf32>
    %reduce_sum3A_127 = arith.constant dense<0.000000e+00> : vector<8x128xf32>
    %reduce_sum3A_128 = vector.multi_reduction <add>, %exp3A_126, %reduce_sum3A_127 [2] : vector<8x128x256xf32> to vector<8x128xf32>
    %broadcast_in_dim3A_129 = vector.shape_cast %reduce_sum3A_128 : vector<8x128xf32> to vector<8x128x1xf32>
    %log3A_130 = math.log %broadcast_in_dim3A_129 : vector<8x128x1xf32>
    %add3A_131 = arith.addf %broadcast_in_dim3A_123, %log3A_130 : vector<8x128x1xf32>
    %mul3A_132 = arith.constant -5.000000e-02 : f32
    %mul3A_133 = vector.broadcast %mul3A_132 : f32 to vector<8x128x1xf32>
    %mul3A_134 = arith.mulf %mul3A_133, %add3A_131 : vector<8x128x1xf32>
    %mul3A_135 = arith.mulf %reshape3A, %mul3A_134 : vector<8x128x1xf32>
    %reduce_sum3A_136 = vector.shape_cast %mul3A_135 : vector<8x128x1xf32> to vector<1x8x128x1xf32>
    %reduce_sum3A_137 = arith.constant dense<0.000000e+00> : vector<1xf32>
    %reduce_sum3A_138 = vector.multi_reduction <add>, %reduce_sum3A_136, %reduce_sum3A_137 [1, 2, 3] : vector<1x8x128x1xf32> to vector<1xf32>
    %reduce_sum3A_139 = vector.shape_cast %reduce_sum3A_138 : vector<1xf32> to vector<1x1x1x1xf32>
    %reduce_sum3A_140 = vector.extract %reduce_sum3A_139[0, 0, 0, 0] : f32 from vector<1x1x1x1xf32>
    %mul3A_141 = arith.mulf %div3A_50, %scan3A_107 : vector<1x1024xf32>
    %reduce_sum3A_142 = vector.shape_cast %mul3A_141 : vector<1x1024xf32> to vector<1x1x1024xf32>
    %reduce_sum3A_143 = arith.constant dense<0.000000e+00> : vector<1xf32>
    %reduce_sum3A_144 = vector.multi_reduction <add>, %reduce_sum3A_142, %reduce_sum3A_143 [1, 2] : vector<1x1x1024xf32> to vector<1xf32>
    %reduce_sum3A_145 = vector.shape_cast %reduce_sum3A_144 : vector<1xf32> to vector<1x1x1xf32>
    %reduce_sum3A_146 = vector.extract %reduce_sum3A_145[0, 0, 0] : f32 from vector<1x1x1xf32>
    %add3A_147 = arith.addf %reduce_sum3A_140, %reduce_sum3A_146 : f32
    %get3A_148 = arith.constant 0 : index
    %get3A_149 = arith.constant 0 : index
    %get3A_150 = vector.load %arg2[%get3A_148, %get3A_149] : memref<1x1xf32, #tpu.memory_space<vmem>>, vector<1x1xf32>
    %get3A_151 = vector.extract %get3A_150[0, 0] : f32 from vector<1x1xf32>
    %div3A_152 = arith.constant 0x49800000 : f32
    %div3A_153 = arith.divf %get3A_151, %div3A_152 : f32
    %broadcast_in_dim3A_154 = arith.constant 0.000000e+00 : f32
    %broadcast_in_dim3A_155 = vector.broadcast %broadcast_in_dim3A_154 : f32 to vector<1x1xf32>
    %mul3A_156 = arith.constant 2.500000e-01 : f32
    %mul3A_157 = arith.mulf %mul3A_156, %div3A_153 : f32
    %add3A_158 = arith.addf %div3A_153, %mul3A_157 : f32
    %add3A_159 = arith.addf %add3A_158, %add3A_147 : f32
    %add3A_160 = vector.broadcast %add3A_159 : f32 to vector<1x1xf32>
    %add3A_161 = arith.addf %broadcast_in_dim3A_155, %add3A_160 : vector<1x1xf32>
    %swap3A_162 = arith.constant 0 : index
    %swap3A_163 = arith.constant 0 : index
    %swap3A_164 = vector.load %arg3[%swap3A_162, %swap3A_163] : memref<1x1xf32, #tpu.memory_space<vmem>>, vector<1x1xf32>
    tpu.vector_store %arg3[%swap3A_162, %swap3A_163], %add3A_161 {strides = array<i32>} : memref<1x1xf32, #tpu.memory_space<vmem>>, vector<1x1xf32>,
    return
  }
}

</mosaic_0001>

<sc_bundles>
// kernel: kernel.5.cloned.1.call-start
scs
__scs_entry_jumppad:
0x0: {  	(pc) =	sbr.rel $0x88, $3  }
0x1: {  	(tag) =	ssettag $0x0;
	lr =	simm.s32 $0x1  }
0x2: {  	[smem:$0x3F9F] =	sst lr;
	_ =	strace $0xD0000000  }
0x3: {  	_ = 	snop  }
0x4: {  	_ = 	snop  }
0x5: {  	_ = 	snop  }
0x6: {  	_ = 	snop  }
0x7: {  	_ = 	snop  }
__scs_overlays_trampoline_lowered:
0x8: {  	[smem:$0x3FAE] =	sst s0  }
0x9: {  	[smem:$0x3FAF] =	sst s1  }
0xa: {  	[smem:$0x3FB0] =	sst s2  }
0xb: {  	[smem:$0x3FB1] =	sst s3  }
0xc: {  	[smem:$0x3FB2] =	sst s4  }
0xd: {  	[smem:$0x3FB3] =	sst s5  }
0xe: {  	[smem:$0x3FB4] =	sst s6  }
0xf: {  	[smem:$0x3FB5] =	sst s7  }
0x10: {  	[smem:$0x3FB6] =	sst s8  }
0x11: {  	[smem:$0x3FB7] =	sst s9;
	s0 =	simm.s32 @!p0 $0x0  }
0x12: {  	s1 =	sld [smem:$0x3F9D];
	s0 =	simm.s32 @p0 $0x1  }
0x13: {  	[smem:$0x3FB8] =	sst s0;
	s0 =	simm.s32 @!p1 $0x0  }
0x14: {  	s2 =	sld [smem:$0x3F9C];
	s0 =	simm.s32 @p1 $0x1  }
0x15: {  	[smem:$0x3FB9] =	sst s0;
	s0 =	simm.s32 @!p2 $0x0  }
0x16: {  	s3 =	sld [smem:$0x3FDB];
	s0 =	simm.s32 @p2 $0x1  }
0x17: {  	s4 =	simm.s32 $0x1BF5;
	[smem:$0x3FBB] =	sst s0  }
0x18: {  	s0 =	sld [smem:$0x3F9E];
	_ =	swait.ge [sflag:s4], $0x0  }
0x19: {  	s7 =	sld [smem:$0x3F9F]  }
0x1a: {  	s8 =	sadd.s32 $0xFFFFE003, lr  }
0x1b: {  	s9 =	sadd.s32 $0xFFFFFEF7, lr;
	s5 =	simm.s32 $0xFFFFFFFF;
	p2 =	slt.u32 s8, $0xFFFFF086  }
0x1c: {  	p1 =	slt.u32 s9, $0xF7A;
	s5 =	simm.s32 @!p2 $0x0  }
0x1d: {  	s5 =	simm.s32 @p1 $0x1;
	p0 =	seq.s32 s7, s2  }
0x1e: {  	s7 =	smul.u32 @!p0 $0xF7A, s2;
	p2 =	seq.s32 @!p0 s5, $0x0  }
0x1f: {  	s9 =	smul.u32 $0xF7A, s1;
	s8 =	simm.s32 @!p0 $0x1BF5;
	p2 =	por !p2, p0  }
0x20: {  	[sflag:s8] =	ssyncset.s32 @!p0 $0xFFFFF086;
	s6 =	sadd.s32 @!p0 s3, s7;
	s7 =	simm.s32 @!p0 $0x108  }
0x21: {  	s3 =	sadd.s32 s3, s9;
	s6 =	sadd.s32 @!p0 $0x88, s6;
	s7 =	simm.s32 @p2 $0x1082  }
0x22: {  	[simem:s7], [sflag:s8] =	dma.local @!p0 [hbm:s6], $0xF7A  }
0x23: {  	s9 =	sor.u32 $0xD0000000, s2;
	s6 =	simm.s32 $0x108;
	_ =	swait.ge @!p0 [sflag:s8], $0x0  }
0x24: {  	s3 =	sadd.s32 $0x88, s3;
	s6 =	simm.s32 @!p1 $0x1082;
	[sflag:s4] =	ssyncset.s32 $0xFFFFF086  }
0x25: {  	[simem:s6], [sflag:s4] =	dma.local [hbm:s3], $0xF7A  }
0x26: {  	[smem:$0x3F9F] =	sst s1;
	(tag) =	ssettag s2;
	_ =	strace s9  }
0x27: {  	s1 =	sld [smem:$0x3FAF]  }
0x28: {  	s2 =	sld [smem:$0x3FB0]  }
0x29: {  	s4 =	sld [smem:$0x3FB2]  }
0x2a: {  	p0 =	seq.s32 s5, $0x0;
	s5 =	sld [smem:$0x3FB3]  }
0x2b: {  	s6 =	sld [smem:$0x3FB4]  }
0x2c: {  	s7 =	sld [smem:$0x3FB5]  }
0x2d: {  	s3 =	simm.s32 $0x108;
	s8 =	sld [smem:$0x3FB6]  }
0x2e: {  	s3 =	simm.s32 @!p0 $0x1082;
	s9 =	sld [smem:$0x3FB7]  }
0x2f: {  	lr =	sadd.s32 s0, s3;
	s0 =	sld [smem:$0x3FAE]  }
0x30: {  	s3 =	sld [smem:$0x3FB1]  }
0x31: {  	[smem:$0x3FBA] =	sst s10  }
0x32: {  	s10 =	sld [smem:$0x3FB8];
	_ =	sdelay $0x3  }
0x33: {  	p0 =	seq.s32 s10, $0x1;
	s10 =	sld [smem:$0x3FBA];
	_ =	sdelay $0x3  }
0x34: {  	[smem:$0x3FBA] =	sst s10  }
0x35: {  	s10 =	sld [smem:$0x3FB9];
	_ =	sdelay $0x3  }
0x36: {  	p1 =	seq.s32 s10, $0x1;
	s10 =	sld [smem:$0x3FBA];
	_ =	sdelay $0x3  }
0x37: {  	[smem:$0x3FBA] =	sst s10  }
0x38: {  	s10 =	sld [smem:$0x3FBB]  }
0x39: {  	_ = 	snop;
	(pc) =	sbr.ind lr, $3  }
0x3a: {  	_ = 	snop  }
0x3b: {  	_ = 	snop  }
0x3c: {  	p2 =	seq.s32 s10, $0x1;
	s10 =	sld [smem:$0x3FBA]  }
0x3d: {  	_ =	shalt  }
0x3e: {  	_ =	shalt  }
0x3f: {  	_ =	shalt  }
0x40: {  	_ =	shalt  }
0x41: {  	_ =	shalt  }
0x42: {  	_ =	shalt  }
0x43: {  	_ =	shalt  }
0x44: {  	_ =	shalt  }
0x45: {  	_ =	shalt  }
0x46: {  	_ =	shalt  }
0x47: {  	_ =	shalt  }
0x48: {  	_ =	shalt  }
0x49: {  	_ =	shalt  }
0x4a: {  	_ =	shalt  }
0x4b: {  	_ =	shalt  }
0x4c: {  	_ =	shalt  }
0x4d: {  	_ =	shalt  }
0x4e: {  	_ =	shalt  }
0x4f: {  	_ =	shalt  }
0x50: {  	_ =	shalt  }
0x51: {  	_ =	shalt  }
0x52: {  	_ =	shalt  }
0x53: {  	_ =	shalt  }
0x54: {  	_ =	shalt  }
0x55: {  	_ =	shalt  }
0x56: {  	_ =	shalt  }
0x57: {  	_ =	shalt  }
0x58: {  	_ =	shalt  }
0x59: {  	_ =	shalt  }
0x5a: {  	_ =	shalt  }
0x5b: {  	_ =	shalt  }
0x5c: {  	_ =	shalt  }
0x5d: {  	_ =	shalt  }
0x5e: {  	_ =	shalt  }
0x5f: {  	_ =	shalt  }
0x60: {  	_ =	shalt  }
0x61: {  	_ =	shalt  }
0x62: {  	_ =	shalt  }
0x63: {  	_ =	shalt  }
0x64: {  	_ =	shalt  }
0x65: {  	_ =	shalt  }
0x66: {  	_ =	shalt  }
0x67: {  	_ =	shalt  }
0x68: {  	_ =	shalt  }
0x69: {  	_ =	shalt  }
0x6a: {  	_ =	shalt  }
0x6b: {  	_ =	shalt  }
0x6c: {  	_ =	shalt  }
0x6d: {  	_ =	shalt  }
0x6e: {  	_ =	shalt  }
0x6f: {  	_ =	shalt  }
0x70: {  	_ =	shalt  }
0x71: {  	_ =	shalt  }
0x72: {  	_ =	shalt  }
0x73: {  	_ =	shalt  }
0x74: {  	_ =	shalt  }
0x75: {  	_ =	shalt  }
0x76: {  	_ =	shalt  }
0x77: {  	_ =	shalt  }
0x78: {  	_ =	shalt  }
0x79: {  	_ =	shalt  }
0x7a: {  	_ =	shalt  }
0x7b: {  	_ =	shalt  }
0x7c: {  	_ =	shalt  }
0x7d: {  	_ =	shalt  }
0x7e: {  	_ =	shalt  }
0x7f: {  	_ =	shalt  }
0x80: {  	_ =	shalt  }
0x81: {  	_ =	shalt  }
0x82: {  	_ =	shalt  }
0x83: {  	_ =	shalt  }
0x84: {  	_ =	shalt  }
0x85: {  	_ =	shalt  }
0x86: {  	_ =	shalt  }
0x87: {  	_ =	shalt  }
.Lfunc_end0:
.L_simem_size_0:
called_computation_lowered:
.L_overlay_start_0:
0x88: {  	s2 =	sld [smem:$0x3FD9]  }
0x89: {  	s3 =	sld [smem:$0x3FFE];
	_ =	sdelay $0x1  }
0x8a: {  	s1 =	srdreg.scid  }
0x8b: {  	s0 =	sand.u32 $0x1, s1  }
0x8c: {  	s14 =	sshll.u32 s0, $0xA;
	s2 =	sadd.s32 s3, s2  }
0x8d: {  	s2 =	sadd.s32 s2, s14  }
0x8e: {  	[smem:$0x3FC6] =	sst s2  }
0x8f: {  	_ = 	snop  }
0x90: {  	s2 =	sld [smem:$0x3FD0];
	_ =	sdelay $0x2  }
0x91: {  	s15 =	simm.s32 $0xA;
	s4 =	simm.s32 $0x10  }
0x92: {  	[smem:s4], [sflag:s15] =	dma.local [hbm:s2], $0x1  }
0x93: {  	_ =	swait.eq [sflag:s15], $0x1  }
0x94: {  	[sflag:s15] =	ssyncset.done $0x0  }
0x95: {  	s16 =	sld [smem:$0x10];
	[sflag:s15] =	ssyncadd.s32 $0xFFFFFFFF  }
0x96: {  	s17 =	sld [smem:$0x14];
	(tm) =	ssettm $0x1  }
0x97: {  	s18 =	sld [smem:$0x3FFB];
	_ =	sdelay $0x3  }
0x98: {  	_ =	strace s18  }
0x99: {  	s4 =	sld [smem:$0x3FFC];
	_ =	sdelay $0x3  }
0x9a: {  	_ =	strace s4  }
0x9b: {  	s4 =	sld [smem:$0x3FFD];
	_ =	sdelay $0x3  }
0x9c: {  	_ =	strace s4  }
0x9d: {  	_ =	strace $0x8FFFFFFF  }
0x9e: {  	s19 =	sld [smem:$0x3FDB];
	_ =	sdelay $0x1  }
0x9f: {  	s5 =	simm.s32 $_scs_section_size  }
0xa0: {  	s6 =	simm.s32 $_size__tile_overlayer_lowered;
	s7 =	simm.s32 $_tile_overlayer_lowered  }
0xa1: {  	s22 =	simm.s32 $0x1BFF;
	s21 =	sshll.u32 s7, $0x1;
	s4 =	sadd.s32 s5, s19  }
0xa2: {  	s8 =	simm.s32 $0x0;
	s20 =	sshll.u32 s6, $0x1;
	s6 =	sadd.s32 s21, s4  }
0xa3: {  	[timem:s8], [sflag:s22] =	dma.local [hbm:s6], s20  }
0xa4: {  	_ =	swait.ge [sflag:s22], s20  }
0xa5: {  	s5 =	ssub.s32 $0x0, s20;
	[sflag:s22] =	ssyncset.done $0x0  }
0xa6: {  	[sflag:s22] =	ssyncadd.s32 s5;
	_ =	sdelay $0x1  }
0xa7: {  	s23 =	simm.s32 $0x1B8B  }
0xa8: {  	_ =	swait.ge [sflag:s23], $0x1  }
0xa9: {  	[sflag:s23] =	ssyncset.done $0x0  }
0xaa: {  	s25 =	simm.s32 $0x1B8E;
	s24 =	sld [smem:$0x3FFE];
	[sflag:s23] =	ssyncadd.s32 $0xFFFFFFFF  }
0xab: {  	s26 =	simm.s32 $execute0_lowered;
	[smem:$0x3FD2] =	sst s25  }
0xac: {  	s6 =	sshll.u32 s26, $0x1;
	_ =	strace $0x80000046;
	[dreg:$0x1] =	wrdreg $0xFFFFFFFF  }
0xad: {  	s28 =	simm.s32 $_size_execute0_lowered;
	s4 =	sadd.s32 s4, s6;
	[dreg:$0x0] =	wrdreg $0x0  }
0xae: {  	s6 =	sshll.u32 s28, $0x1;
	[dreg:$0x2] =	wrdreg s4  }
0xaf: {  	[dreg:$0x3] =	wrdreg s6  }
0xb0: {  	[dreg:$0x4] =	wrdreg $0xC0  }
0xb1: {  	_ =	task [dreg:s8], $0x5FFFF  }
0xb2: {  	[dreg:$0x1] =	wrdreg $0xFFFFFFFF  }
0xb3: {  	[dreg:$0x0] =	wrdreg $0x60  }
0xb4: {  	[dreg:$0x2] =	wrdreg s17  }
0xb5: {  	[dreg:$0x3] =	wrdreg s24  }
0xb6: {  	[dreg:$0x4] =	wrdreg s16  }
0xb7: {  	[dreg:$0x5] =	wrdreg $0x9  }
0xb8: {  	_ =	task.clear_ibuf [dreg:s8], $0x6FFFF;
	_ =	strace $0x90000046  }
0xb9: {  	s29 =	simm.s32 $0x9;
	_ =	strace $0x80000048  }
0xba: {  	_ =	swait.ge [sflag:s29], $0x1  }
0xbb: {  	[sflag:s29] =	ssyncadd.s32 $0xFFFFFFFF  }
0xbc: {  	_ =	strace $0x90000048  }
0xbd: {  	_ =	sfence  }
0xbe: {  	s30 =	sld [smem:$0x0];
	_ =	sdelay $0x2  }
0xbf: {  	s31 =	sshll.u32 s1, $0xD;
	s1 =	sshrl.u32 s1, $0x2  }
0xc0: {  	s3 =	sand.u32 $0x4000, s31;
	s1 =	sadd.s32 s1, s30  }
0xc1: {  	s0 =	sor.u32 s3, s0;
	s1 =	sshll.u32 s1, $0x11  }
0xc2: {  	s0 =	sor.u32 s1, s0  }
0xc3: {  	s0 =	sadd.s32 $0x8F2B, s0  }
0xc4: {  	[sflag:s0] =	ssyncadd.remote.s32 $0x1  }
0xc5: {  	_ =	sfence.sel $0xFFFF  }
0xc6: {  	[dreg:$0x0] =	wrdreg $0xFFFFFFFF;
	(pc) =	sbr.abs _section_cstart, $3  }
0xc7: {  	[dreg:$0x1] =	wrdreg $0xFFFFFFFF  }
0xc8: {  	_ =	task.clear_ibuf [dreg:s8], $0x2FFFF;
	_ =	strace $0x9FFFFFFF  }
0xc9: {  	(tm) =	ssettm $0x7FFFFFFF  }
tec
execute0_lowered:
.L_overlay_start_1:
0x0: {  	(tag) =	ssettag $0x1  }
0x1: {  	s2 =	srdreg.scid  }
0x2: {  	s1 =	rddreg [dreg:$0x0];
	s0 =	stileid.u32;
	s6 =	sand.u32 $0x1, s2  }
0x3: {  	s4 =	rddreg [dreg:$0x1];
	s30 =	sshll.u32 s0, $0xA;
	s3 =	sshll.u32 s6, $0x9  }
0x4: {  	s8 =	rddreg [dreg:$0x2];
	s9 =	sor.u32 s3, s30  }
0x5: {  	s2 =	rddreg [dreg:$0x3];
	s3 =	simm.s32 $0x0;
	s5 =	sshrl.u32 s9, $0x3  }
0x6: {  	s10 =	ssub.s32 $0x2, s6;
	[smem:$0x7FF] =	sst s3;
	s4 =	sadd.s32 s5, s4  }
0x7: {  	_ =	strace $0x80000047;
	s5 =	sadd.s32 $0x200, s4;
	s4 =	simm.s32 $0x2  }
0x8: {  	[tilespmem:s3], [sflag:$0x2] =	stream.linear.gather [hbm4b:s5+s3], $0x200, $0x38;
	[tilespmem:$0x10200] =	vst v63  }
0x9: {  	s11 =	sshrl.u32 s10, $0x1;
	_ =	swait.ge [sflag:s4], $0x200  }
0xa: {  	s7 =	simm.s32 $0x1;
	s10 =	ssub.s32 s10, s11;
	[sflag:s4] =	ssyncset.done $0x0  }
0xb: {  	s6 =	simm.s32 $0x200;
	s31 =	smax.u32 s10, $0x1;
	[sflag:s4] =	ssyncadd.s32 $0xFFFFFE00  }
0xc: {  	[tilespmem:s6], [sflag:$0x1] =	stream.indirect.gather [hbm4b:s1+s6], $0x80, s3, s6, $0xb8;
	[tilespmem:$0x10200] =	vst v63  }
0xd: {  	p0 =	sne.s32 s31, $0x1;
	_ =	swait.ge [sflag:s7], $0x10000  }
.Ltmp0:
0xe: {  	s9 =	sshll.u32 s9, $0x4;
	[sflag:s7] =	ssyncset.done $0x0;
	(pc) =	sbr.rel @!p0 .LBB2_2-.Ltmp0, $4  }
0xf: {  	s8 =	sadd.s32 s8, s9;
	[sflag:s7] =	ssyncadd.s32 $0xFFFF0000  }
0x10: {  	[hbm4b:s8+s3] =	stream.linear.scatter [tilespmem:s6], [sflag:$0x2], $0x10000, $0x38;
	[tilespmem:$0x10200] =	vst v63  }
0x11: {  	_ =	swait.ge [sflag:s4], $0x10000  }
0x12: {  	s9 =	sadd.s32 $0xFFFFFFFF, s31;
	[sflag:s4] =	ssyncset.done $0x0  }
.LBB2_1:
0x13: {  	p0 =	sne.s32 s9, $0x1;
	s9 =	sadd.s32 $0xFFFFFFFF, s9;
	[sflag:s4] =	ssyncadd.s32 $0xFFFF0000  }
0x14: {  	[tilespmem:s3], [sflag:$0x2] =	stream.linear.gather [hbm4b:s5+s3], $0x200, $0x38;
	[tilespmem:$0x10200] =	vst v63  }
0x15: {  	_ =	swait.ge [sflag:s4], $0x200  }
0x16: {  	[sflag:s4] =	ssyncset.done $0x0  }
0x17: {  	[sflag:s4] =	ssyncadd.s32 $0xFFFFFE00  }
0x18: {  	[tilespmem:s6], [sflag:$0x1] =	stream.indirect.gather [hbm4b:s1+s6], $0x80, s3, s6, $0xb8;
	[tilespmem:$0x10200] =	vst v63  }
0x19: {  	_ =	swait.ge [sflag:s7], $0x10000  }
.Ltmp1:
0x1a: {  	[sflag:s7] =	ssyncset.done $0x0;
	(pc) =	sbr.rel @p0 .LBB2_1-.Ltmp1, $4  }
0x1b: {  	[sflag:s7] =	ssyncadd.s32 $0xFFFF0000  }
0x1c: {  	[hbm4b:s8+s3] =	stream.linear.scatter [tilespmem:s6], [sflag:$0x2], $0x10000, $0x38;
	[tilespmem:$0x10200] =	vst v63  }
0x1d: {  	_ =	swait.ge [sflag:s4], $0x10000  }
0x1e: {  	[sflag:s4] =	ssyncset.done $0x0  }
.LBB2_2:
0x1f: {  	[sflag:s4] =	ssyncadd.s32 $0xFFFF0000  }
0x20: {  	_ =	sfence.sel $0x180000  }
0x21: {  	[bflag:$0x0] =	sbarrier.arrive $0xFFFF  }
0x22: {  	p0 =	sne.s32 s0, $0x0;
	_ =	strace $0x90000047  }
0x23: {  	s0 =	sadd.s32 @!p0 $0x100000, s2;
	[bflag:$0x2] =	sbarrier.arrive $0xFFFF  }
0x24: {  	[sflag:s0] =	ssyncadd.tile.s32 @!p0 $0x1;
	_ =	shalt  }
.Lfunc_end2:
_tile_overlayer_lowered:
.L_overlay_start_2:
0x25: {  	(tag) =	ssettag $0x2  }
0x26: {  	s0 =	rddreg [dreg:$0x0];
	s2 =	stileid.u32  }
0x27: {  	s1 =	rddreg [dreg:$0x1];
	p0 =	sne.s32 s2, $0x0  }
0x28: {  	s3 =	rddreg [dreg:$0x2];
	[bflag:$0x3] =	sbarrier.arrive $0xFFFF;
	s2 =	simm.s32 @!p0 $0x1C02  }
0x29: {  	[timem:s3], [sflag:s2] =	dma.local @!p0 [hbm:s0], s1  }
0x2a: {  	s0 =	simm.s32 @!p0 $0x2  }
0x2b: {  	_ =	swait.ge @!p0 [sflag:s0], s1  }
0x2c: {  	s1 =	ssub.s32 @!p0 $0x0, s1;
	[sflag:s0] =	ssyncset.done @!p0 $0x0  }
0x2d: {  	[sflag:s0] =	ssyncadd.s32 @!p0 s1  }
0x2e: {  	[bflag:$0x3] =	sbarrier.arrive $0xFFFF  }
0x2f: {  	_ =	shalt  }

</sc_bundles>
